<compile_context>
chip_gen: v7x
topology: tpu7x:2x2x1
jax: 0.10.2.dev20260603
libtpu: 0.0.44.dev20260713+nightly
codegen_flags: <defaults>
</compile_context>

<pallas_src>
import functools

import jax
import jax.numpy as jnp
from jax import lax
from jax.experimental import pallas as pl
from jax.experimental.pallas import tpu as pltpu
from jax.experimental.pallas import tpu_sc as plsc

N = 8192
K = 1024
D = 64
TN = 1024
NT = N // TN
TEMPERATURE = 0.01

SC_NC = 2
SC_NS = 16
SC_NW = SC_NC * SC_NS
SC_ROWS = N // SC_NW
SC_J = SC_ROWS // 128


def _vq_tc_body(x_ref, cb_ref, a2_ref, b2_ref, idx_ref, scal_ref,
                accp_ref, accs_ref):
    i = pl.program_id(0)

    @pl.when(i == 0)
    def _init():
        accp_ref[...] = jnp.zeros_like(accp_ref)
        accs_ref[0] = 0.0
        accs_ref[1] = 0.0

    x = x_ref[...]
    cb = cb_ref[...]
    dn = (((1,), (1,)), ((), ()))

    ab = lax.dot_general(x, cb, dn, preferred_element_type=jnp.float32)
    dist = a2_ref[...] - 2.0 * ab + b2_ref[...]

    mm = jnp.min(dist, axis=1, keepdims=True)
    iota_k = lax.broadcasted_iota(jnp.int32, (TN, K), 1)
    cand = jnp.where(dist == mm, iota_k, K)
    idxv = jnp.min(cand, axis=1, keepdims=True)
    idx_ref[...] = idxv.reshape(1, TN, 1)

    z = dist * (-1.0 / TEMPERATURE)
    zm = z - mm * (-1.0 / TEMPERATURE)
    ez = jnp.exp(zm)
    u = ez * zm
    ones8 = jnp.ones((8, K), jnp.float32)
    s8 = lax.dot_general(ez, ones8, dn, preferred_element_type=jnp.float32)
    t8 = lax.dot_general(u, ones8, dn, preferred_element_type=jnp.float32)
    s = s8[:, 0:1]
    t = t8[:, 0:1]
    rs = 1.0 / s
    row_pl = t * rs - jnp.log(s)
    p = ez * rs
    ones8t = jnp.ones((8, TN), jnp.float32)
    accp_ref[...] += lax.dot_general(ones8t, p, (((1,), (0,)), ((), ())),
                                     preferred_element_type=jnp.float32)
    accs_ref[0] = accs_ref[0] + jnp.sum(mm)
    accs_ref[1] = accs_ref[1] + jnp.sum(row_pl)

    @pl.when(i == NT - 1)
    def _finish():
        fn = jnp.float32(N)
        q = accs_ref[0] / (fn * jnp.float32(D))
        e = 0.25 * q
        sample_entropy = -(accs_ref[1] / fn)
        avgp = accp_ref[0:1, :] / fn
        avg_entropy = -jnp.sum(avgp * jnp.log(avgp + 1e-5))
        ent = (sample_entropy - avg_entropy) * jnp.float32(0.1)
        loss = e + q + ent
        io = lax.broadcasted_iota(jnp.int32, (1, 128), 1)
        vec = (jnp.where(io == 0, loss, 0.0)
               + jnp.where(io == 1, e, 0.0)
               + jnp.where(io == 2, q, 0.0)
               + jnp.where(io == 3, ent, 0.0))
        scal_ref[...] = vec.astype(jnp.float32)


def _vq_stats(x2d, codebook, a2, b2):
    return pl.pallas_call(
        _vq_tc_body,
        grid=(NT,),
        in_specs=[
            pl.BlockSpec((TN, D), lambda i: (i, 0)),
            pl.BlockSpec((K, D), lambda i: (0, 0)),
            pl.BlockSpec((TN, 1), lambda i: (i, 0)),
            pl.BlockSpec((1, K), lambda i: (0, 0)),
        ],
        out_specs=[
            pl.BlockSpec((1, TN, 1), lambda i: (i, 0, 0)),
            pl.BlockSpec((1, 128), lambda i: (0, 0)),
        ],
        out_shape=[
            jax.ShapeDtypeStruct((NT, TN, 1), jnp.int32),
            jax.ShapeDtypeStruct((1, 128), jnp.float32),
        ],
        scratch_shapes=[
            pltpu.VMEM((8, K), jnp.float32),
            pltpu.SMEM((2,), jnp.float32),
        ],
    )(x2d, codebook, a2, b2)


@functools.cache
def _make_sc_gather():
    @functools.partial(
        pl.kernel,
        mesh=plsc.VectorSubcoreMesh(core_axis_name="c", subcore_axis_name="s"),
        out_type=jax.ShapeDtypeStruct((SC_NW, SC_J, 128, 128), jnp.float32),
        scratch_types=[
            pltpu.VMEM((SC_J, 128), jnp.int32),
            pltpu.VMEM((SC_J, 128, 128), jnp.float32),
            pltpu.SemaphoreType.DMA,
        ],
    )
    def _sc_gather(idx_hbm, table_hbm, out_hbm, idx_v, rows_v, sem):
        wid = lax.axis_index("s") * SC_NC + lax.axis_index("c")
        pltpu.sync_copy(idx_hbm.at[wid], idx_v)
        copies = [
            pltpu.async_copy(table_hbm.at[idx_v.at[j]], rows_v.at[j], sem)
            for j in range(SC_J)
        ]
        for c in copies:
            c.wait()
        pltpu.sync_copy(rows_v, out_hbm.at[wid])

    return _sc_gather


def kernel(x, codebook):
    x2d = x.reshape(N, D)
    a2 = jnp.sum(x2d ** 2, axis=1, keepdims=True)
    b2 = jnp.sum(codebook ** 2, axis=1, keepdims=True).T
    idx3, scal = _vq_stats(x2d, codebook, a2, b2)
    idx2d = idx3.reshape(NT, TN)
    idx_w = idx2d.reshape(SC_NW, SC_J, 128)
    cb_pad = jnp.pad(codebook, ((0, 0), (0, 128 - D)))
    rows = _make_sc_gather()(idx_w, cb_pad)
    quantized = rows[..., :D].reshape(x.shape)
    loss = scal[0, 0]
    e_latent_loss = scal[0, 1]
    q_latent_loss = scal[0, 2]
    ent = scal[0, 3]
    encoding_indices = idx2d.reshape(x.shape[:-1])
    return (quantized, loss, e_latent_loss, q_latent_loss, ent,
            encoding_indices)

# --- scband reference (transcript-rebuilt; emitter-appended) ---
"""Pipeline reference for scband-vector-quantizer-57269093925494 (READ-ONLY COPY).

The authoritative reference and input builder live on the scoring server;
editing this copy changes nothing except your own understanding.
"""

import jax, jax.numpy as jnp
import numpy as np


def squared_euclidean_distance(a, b):
    # a: [N, d], b: [K, d] -> [N, K]
    a2 = jnp.sum(a ** 2, axis=1, keepdims=True)
    b2 = jnp.sum(b ** 2, axis=1, keepdims=True).T
    ab = jnp.matmul(a, b.T)
    return a2 - 2.0 * ab + b2


def entropy_loss(affinity, loss_type='softmax', temperature=1.0):
    flat_affinity = affinity.reshape(-1, affinity.shape[-1])
    flat_affinity = flat_affinity / temperature
    probs = jax.nn.softmax(flat_affinity, axis=-1)
    log_probs = jax.nn.log_softmax(flat_affinity + 1e-5, axis=-1)
    if loss_type == 'softmax':
        target_probs = probs
    else:
        raise ValueError('unsupported loss_type')
    avg_probs = jnp.mean(target_probs, axis=0)
    avg_entropy = -jnp.sum(avg_probs * jnp.log(avg_probs + 1e-5))
    sample_entropy = -jnp.mean(jnp.sum(target_probs * log_probs, axis=-1))
    return sample_entropy - avg_entropy


def setup_inputs(seed: int = 0) -> dict:
    key = jax.random.key(seed)
    k1, k2 = jax.random.split(key)
    x = jax.random.normal(k1, (8, 1024, 64), dtype=jnp.float32)
    # variance_scaling(scale=1.0, mode='fan_in', distribution='uniform') for (1024, 64): fan_in=64
    lim = float(np.sqrt(3.0 / 64.0))
    codebook = jax.random.uniform(k2, (1024, 64), dtype=jnp.float32, minval=-lim, maxval=lim)
    return {'x': x, 'codebook': codebook}


def reference(x, codebook):
    codebook_size = codebook.shape[0]
    distances = jnp.reshape(
        squared_euclidean_distance(jnp.reshape(x, (-1, x.shape[-1])), codebook),
        x.shape[:-1] + (codebook_size,))
    encoding_indices = jnp.argmin(distances, axis=-1)
    encodings = jax.nn.one_hot(encoding_indices, codebook_size, dtype=jnp.float32)
    quantized = jnp.dot(encodings, codebook)
    # train=True branch
    commitment_cost = 0.25
    e_latent_loss = jnp.mean((jax.lax.stop_gradient(quantized) - x) ** 2) * commitment_cost
    q_latent_loss = jnp.mean((quantized - jax.lax.stop_gradient(x)) ** 2)
    entropy_loss_ratio = 0.1
    ent = entropy_loss(-distances, loss_type='softmax', temperature=0.01) * entropy_loss_ratio
    e_latent_loss = jnp.asarray(e_latent_loss, jnp.float32)
    q_latent_loss = jnp.asarray(q_latent_loss, jnp.float32)
    ent = jnp.asarray(ent, jnp.float32)
    loss = e_latent_loss + q_latent_loss + ent
    quantized = x + jax.lax.stop_gradient(quantized - x)
    return (quantized, loss, e_latent_loss, q_latent_loss, ent, encoding_indices)

if __name__ == "__main__":
    import jax
    _d = setup_inputs()
    print(jax.jit(kernel)(*tuple(_d.values())))

</pallas_src>

<mosaic_0001>
#map = affine_map<(d0, d1) -> (0, 0, 0)>
#map1 = affine_map<(d0, d1) -> (0, 0)>
#map2 = affine_map<(d0, d1) -> (0, 0, 0, 0)>
module attributes {stable_mosaic.version = 14 : i64} {
  func.func @_sc_gather(%arg0: i32, %arg1: i32, %arg2: memref<32x2x128xi32, #tpu.memory_space<hbm>>, %arg3: memref<1024x128xf32, #tpu.memory_space<hbm>>, %arg4: memref<32x2x128x128xf32, #tpu.memory_space<hbm>>, %arg5: memref<2x128xi32, #tpu.memory_space<vmem>>, %arg6: memref<2x128x128xf32, #tpu.memory_space<vmem>>, %arg7: memref<!tpu.dma_semaphore, #tpu.memory_space<semaphore_mem>>) attributes {dimension_semantics = [#tpu.dimension_semantics<core_parallel>, #tpu.dimension_semantics<subcore_parallel>], iteration_bounds = array<i64: 2, 16>, scalar_prefetch = 0 : i64, scratch_operands = 3 : i64, tpu.core_type = #tpu.core_type<sc_vector_subcore>, window_params = [{transform_indices = #map}, {transform_indices = #map1}, {transform_indices = #map2}]} {
    %mul3A = arith.constant 2 : i32
    %mul3A_0 = arith.muli %arg1, %mul3A : i32
    %add3A = arith.addi %mul3A_0, %arg0 : i32
    "tpu.region"() ({
      %run_scoped3A = tpu.sem_alloc : memref<!tpu.dma_semaphore, #tpu.memory_space<semaphore_mem>>
      %dma_start3A_47 = arith.constant 0 : i32
      %dma_start3A_48 = arith.constant 0 : i32
      %dma_start3A_49 = tpu.memref_slice %arg2[%add3A, %dma_start3A_47, %dma_start3A_48] : memref<32x2x128xi32, #tpu.memory_space<hbm>> -> memref<1x2x128xi32, #tpu.memory_space<hbm>>
      %dma_start3A_50 = tpu.memref_squeeze %dma_start3A_49 : memref<1x2x128xi32, #tpu.memory_space<hbm>> -> memref<2x128xi32, #tpu.memory_space<hbm>>
      %dma_start3A_51 = arith.constant 0 : i32
      %dma_start3A_52 = arith.constant 0 : i32
      %dma_start3A_53 = tpu.memref_slice %arg2[%add3A, %dma_start3A_51, %dma_start3A_52] : memref<32x2x128xi32, #tpu.memory_space<hbm>> -> memref<1x2x128xi32, #tpu.memory_space<hbm>>
      %dma_start3A_54 = tpu.memref_squeeze %dma_start3A_53 : memref<1x2x128xi32, #tpu.memory_space<hbm>> -> memref<2x128xi32, #tpu.memory_space<hbm>>
      tpu.enqueue_dma source(%dma_start3A_54 : memref<2x128xi32, #tpu.memory_space<hbm>>) target(%arg5 : memref<2x128xi32, #tpu.memory_space<vmem>>) target_semaphore(%run_scoped3A : memref<!tpu.dma_semaphore, #tpu.memory_space<semaphore_mem>>)
      %dma_wait3A_55 = arith.constant 0 : i32
      %dma_wait3A_56 = arith.constant 0 : i32
      %dma_wait3A_57 = tpu.memref_slice %arg2[%add3A, %dma_wait3A_55, %dma_wait3A_56] : memref<32x2x128xi32, #tpu.memory_space<hbm>> -> memref<1x2x128xi32, #tpu.memory_space<hbm>>
      %dma_wait3A_58 = tpu.memref_squeeze %dma_wait3A_57 : memref<1x2x128xi32, #tpu.memory_space<hbm>> -> memref<2x128xi32, #tpu.memory_space<hbm>>
      %dma_wait3A_59 = arith.constant 0 : i32
      %dma_wait3A_60 = arith.constant 0 : i32
      %dma_wait3A_61 = tpu.memref_slice %arg2[%add3A, %dma_wait3A_59, %dma_wait3A_60] : memref<32x2x128xi32, #tpu.memory_space<hbm>> -> memref<1x2x128xi32, #tpu.memory_space<hbm>>
      %dma_wait3A_62 = tpu.memref_squeeze %dma_wait3A_61 : memref<1x2x128xi32, #tpu.memory_space<hbm>> -> memref<2x128xi32, #tpu.memory_space<hbm>>
      tpu.wait_dma2 semaphore(%run_scoped3A : memref<!tpu.dma_semaphore, #tpu.memory_space<semaphore_mem>>) src(%dma_wait3A_62 : memref<2x128xi32, #tpu.memory_space<hbm>>) dst(%arg5 : memref<2x128xi32, #tpu.memory_space<vmem>>)
      tpu.yield
    }) : () -> ()
    %dma_start3A = arith.constant 0 : i32
    %dma_start3A_1 = arith.constant 0 : i32
    %dma_start3A_2 = arith.constant 0 : i32
    %dma_start3A_3 = arith.constant 0 : i32
    %dma_start3A_4 = tpu.memref_slice %arg6[%dma_start3A_1, %dma_start3A_2, %dma_start3A_3] : memref<2x128x128xf32, #tpu.memory_space<vmem>> -> memref<1x128x128xf32, #tpu.memory_space<vmem>>
    %dma_start3A_5 = tpu.memref_squeeze %dma_start3A_4 : memref<1x128x128xf32, #tpu.memory_space<vmem>> -> memref<128x128xf32, #tpu.memory_space<vmem>>
    %dma_start3A_6 = arith.constant 0 : i32
    %dma_start3A_7 = tpu.memref_slice %arg5[%dma_start3A, %dma_start3A_6] : memref<2x128xi32, #tpu.memory_space<vmem>> -> memref<1x128xi32, #tpu.memory_space<vmem>>
    %dma_start3A_8 = tpu.memref_squeeze %dma_start3A_7 : memref<1x128xi32, #tpu.memory_space<vmem>> -> memref<128xi32, #tpu.memory_space<vmem>>
    %dma_start3A_9 = arith.constant 0 : i32
    %dma_start3A_10 = arith.constant 0 : i32
    %dma_start3A_11 = tpu.memref_slice %arg3[%dma_start3A_9, %dma_start3A_10] : memref<1024x128xf32, #tpu.memory_space<hbm>> -> memref<1024x128xf32, #tpu.memory_space<hbm>>
    tpu.enqueue_indirect_dma source(%dma_start3A_11 : memref<1024x128xf32, #tpu.memory_space<hbm>>) target(%dma_start3A_5 : memref<128x128xf32, #tpu.memory_space<vmem>>) offsets(%dma_start3A_8 : memref<128xi32, #tpu.memory_space<vmem>>) semaphore(%arg7 : memref<!tpu.dma_semaphore, #tpu.memory_space<semaphore_mem>>)
    %dma_start3A_12 = arith.constant 1 : i32
    %dma_start3A_13 = arith.constant 1 : i32
    %dma_start3A_14 = arith.constant 0 : i32
    %dma_start3A_15 = arith.constant 0 : i32
    %dma_start3A_16 = tpu.memref_slice %arg6[%dma_start3A_13, %dma_start3A_14, %dma_start3A_15] : memref<2x128x128xf32, #tpu.memory_space<vmem>> -> memref<1x128x128xf32, #tpu.memory_space<vmem>>
    %dma_start3A_17 = tpu.memref_squeeze %dma_start3A_16 : memref<1x128x128xf32, #tpu.memory_space<vmem>> -> memref<128x128xf32, #tpu.memory_space<vmem>>
    %dma_start3A_18 = arith.constant 0 : i32
    %dma_start3A_19 = tpu.memref_slice %arg5[%dma_start3A_12, %dma_start3A_18] : memref<2x128xi32, #tpu.memory_space<vmem>> -> memref<1x128xi32, #tpu.memory_space<vmem>>
    %dma_start3A_20 = tpu.memref_squeeze %dma_start3A_19 : memref<1x128xi32, #tpu.memory_space<vmem>> -> memref<128xi32, #tpu.memory_space<vmem>>
    %dma_start3A_21 = arith.constant 0 : i32
    %dma_start3A_22 = arith.constant 0 : i32
    %dma_start3A_23 = tpu.memref_slice %arg3[%dma_start3A_21, %dma_start3A_22] : memref<1024x128xf32, #tpu.memory_space<hbm>> -> memref<1024x128xf32, #tpu.memory_space<hbm>>
    tpu.enqueue_indirect_dma source(%dma_start3A_23 : memref<1024x128xf32, #tpu.memory_space<hbm>>) target(%dma_start3A_17 : memref<128x128xf32, #tpu.memory_space<vmem>>) offsets(%dma_start3A_20 : memref<128xi32, #tpu.memory_space<vmem>>) semaphore(%arg7 : memref<!tpu.dma_semaphore, #tpu.memory_space<semaphore_mem>>)
    %dma_wait3A = arith.constant 0 : i32
    %dma_wait3A_24 = arith.constant 0 : i32
    %dma_wait3A_25 = arith.constant 0 : i32
    %dma_wait3A_26 = arith.constant 0 : i32
    %dma_wait3A_27 = tpu.memref_slice %arg6[%dma_wait3A_24, %dma_wait3A_25, %dma_wait3A_26] : memref<2x128x128xf32, #tpu.memory_space<vmem>> -> memref<1x128x128xf32, #tpu.memory_space<vmem>>
    %dma_wait3A_28 = tpu.memref_squeeze %dma_wait3A_27 : memref<1x128x128xf32, #tpu.memory_space<vmem>> -> memref<128x128xf32, #tpu.memory_space<vmem>>
    %dma_wait3A_29 = arith.constant 0 : i32
    %dma_wait3A_30 = tpu.memref_slice %arg5[%dma_wait3A, %dma_wait3A_29] : memref<2x128xi32, #tpu.memory_space<vmem>> -> memref<1x128xi32, #tpu.memory_space<vmem>>
    %dma_wait3A_31 = tpu.memref_squeeze %dma_wait3A_30 : memref<1x128xi32, #tpu.memory_space<vmem>> -> memref<128xi32, #tpu.memory_space<vmem>>
    %dma_wait3A_32 = arith.constant 0 : i32
    %dma_wait3A_33 = arith.constant 0 : i32
    %dma_wait3A_34 = tpu.memref_slice %arg3[%dma_wait3A_32, %dma_wait3A_33] : memref<1024x128xf32, #tpu.memory_space<hbm>> -> memref<1024x128xf32, #tpu.memory_space<hbm>>
    tpu.wait_indirect_dma semaphore(%arg7 : memref<!tpu.dma_semaphore, #tpu.memory_space<semaphore_mem>>) src(%dma_wait3A_34 : memref<1024x128xf32, #tpu.memory_space<hbm>>) dst(%dma_wait3A_28 : memref<128x128xf32, #tpu.memory_space<vmem>>)
    %dma_wait3A_35 = arith.constant 1 : i32
    %dma_wait3A_36 = arith.constant 1 : i32
    %dma_wait3A_37 = arith.constant 0 : i32
    %dma_wait3A_38 = arith.constant 0 : i32
    %dma_wait3A_39 = tpu.memref_slice %arg6[%dma_wait3A_36, %dma_wait3A_37, %dma_wait3A_38] : memref<2x128x128xf32, #tpu.memory_space<vmem>> -> memref<1x128x128xf32, #tpu.memory_space<vmem>>
    %dma_wait3A_40 = tpu.memref_squeeze %dma_wait3A_39 : memref<1x128x128xf32, #tpu.memory_space<vmem>> -> memref<128x128xf32, #tpu.memory_space<vmem>>
    %dma_wait3A_41 = arith.constant 0 : i32
    %dma_wait3A_42 = tpu.memref_slice %arg5[%dma_wait3A_35, %dma_wait3A_41] : memref<2x128xi32, #tpu.memory_space<vmem>> -> memref<1x128xi32, #tpu.memory_space<vmem>>
    %dma_wait3A_43 = tpu.memref_squeeze %dma_wait3A_42 : memref<1x128xi32, #tpu.memory_space<vmem>> -> memref<128xi32, #tpu.memory_space<vmem>>
    %dma_wait3A_44 = arith.constant 0 : i32
    %dma_wait3A_45 = arith.constant 0 : i32
    %dma_wait3A_46 = tpu.memref_slice %arg3[%dma_wait3A_44, %dma_wait3A_45] : memref<1024x128xf32, #tpu.memory_space<hbm>> -> memref<1024x128xf32, #tpu.memory_space<hbm>>
    tpu.wait_indirect_dma semaphore(%arg7 : memref<!tpu.dma_semaphore, #tpu.memory_space<semaphore_mem>>) src(%dma_wait3A_46 : memref<1024x128xf32, #tpu.memory_space<hbm>>) dst(%dma_wait3A_40 : memref<128x128xf32, #tpu.memory_space<vmem>>)
    "tpu.region"() ({
      %run_scoped3A = tpu.sem_alloc : memref<!tpu.dma_semaphore, #tpu.memory_space<semaphore_mem>>
      %dma_start3A_47 = arith.constant 0 : i32
      %dma_start3A_48 = arith.constant 0 : i32
      %dma_start3A_49 = arith.constant 0 : i32
      %dma_start3A_50 = tpu.memref_slice %arg4[%add3A, %dma_start3A_47, %dma_start3A_48, %dma_start3A_49] : memref<32x2x128x128xf32, #tpu.memory_space<hbm>> -> memref<1x2x128x128xf32, #tpu.memory_space<hbm>>
      %dma_start3A_51 = tpu.memref_squeeze %dma_start3A_50 : memref<1x2x128x128xf32, #tpu.memory_space<hbm>> -> memref<2x128x128xf32, #tpu.memory_space<hbm>>
      %dma_start3A_52 = arith.constant 0 : i32
      %dma_start3A_53 = arith.constant 0 : i32
      %dma_start3A_54 = arith.constant 0 : i32
      %dma_start3A_55 = tpu.memref_slice %arg4[%add3A, %dma_start3A_52, %dma_start3A_53, %dma_start3A_54] : memref<32x2x128x128xf32, #tpu.memory_space<hbm>> -> memref<1x2x128x128xf32, #tpu.memory_space<hbm>>
      %dma_start3A_56 = tpu.memref_squeeze %dma_start3A_55 : memref<1x2x128x128xf32, #tpu.memory_space<hbm>> -> memref<2x128x128xf32, #tpu.memory_space<hbm>>
      tpu.enqueue_dma source(%arg6 : memref<2x128x128xf32, #tpu.memory_space<vmem>>) target(%dma_start3A_56 : memref<2x128x128xf32, #tpu.memory_space<hbm>>) target_semaphore(%run_scoped3A : memref<!tpu.dma_semaphore, #tpu.memory_space<semaphore_mem>>)
      %dma_wait3A_57 = arith.constant 0 : i32
      %dma_wait3A_58 = arith.constant 0 : i32
      %dma_wait3A_59 = arith.constant 0 : i32
      %dma_wait3A_60 = tpu.memref_slice %arg4[%add3A, %dma_wait3A_57, %dma_wait3A_58, %dma_wait3A_59] : memref<32x2x128x128xf32, #tpu.memory_space<hbm>> -> memref<1x2x128x128xf32, #tpu.memory_space<hbm>>
      %dma_wait3A_61 = tpu.memref_squeeze %dma_wait3A_60 : memref<1x2x128x128xf32, #tpu.memory_space<hbm>> -> memref<2x128x128xf32, #tpu.memory_space<hbm>>
      %dma_wait3A_62 = arith.constant 0 : i32
      %dma_wait3A_63 = arith.constant 0 : i32
      %dma_wait3A_64 = arith.constant 0 : i32
      %dma_wait3A_65 = tpu.memref_slice %arg4[%add3A, %dma_wait3A_62, %dma_wait3A_63, %dma_wait3A_64] : memref<32x2x128x128xf32, #tpu.memory_space<hbm>> -> memref<1x2x128x128xf32, #tpu.memory_space<hbm>>
      %dma_wait3A_66 = tpu.memref_squeeze %dma_wait3A_65 : memref<1x2x128x128xf32, #tpu.memory_space<hbm>> -> memref<2x128x128xf32, #tpu.memory_space<hbm>>
      tpu.wait_dma2 semaphore(%run_scoped3A : memref<!tpu.dma_semaphore, #tpu.memory_space<semaphore_mem>>) src(%arg6 : memref<2x128x128xf32, #tpu.memory_space<vmem>>) dst(%dma_wait3A_66 : memref<2x128x128xf32, #tpu.memory_space<hbm>>)
      tpu.yield
    }) : () -> ()
    return
  }
}

module attributes {stable_mosaic.version = 14 : i64} {
  func.func @_vq_tc_body(%arg0: i32, %arg1: memref<1024x64xf32, #tpu.memory_space<vmem>>, %arg2: memref<1024x64xf32, #tpu.memory_space<vmem>>, %arg3: memref<1024x1xf32, #tpu.memory_space<vmem>>, %arg4: memref<1x1024xf32, #tpu.memory_space<vmem>>, %arg5: memref<1x1024x1xi32, #tpu.memory_space<vmem>>, %arg6: memref<1x128xf32, #tpu.memory_space<vmem>>, %arg7: memref<8x1024xf32, #tpu.memory_space<vmem>>, %arg8: memref<2xf32, #tpu.memory_space<smem>>) attributes {dimension_semantics = [#tpu.dimension_semantics<arbitrary>], iteration_bounds = array<i64: 8>, scalar_prefetch = 0 : i64, scratch_operands = 2 : i64, tpu.core_type = #tpu.core_type<tc>, window_params = [{transform_indices = @transform_0, window_bounds = array<i64: 1024, 64>}, {pipeline_mode = #tpu.pipeline_mode<synchronous>, transform_indices = @transform_1, window_bounds = array<i64: 1024, 64>}, {transform_indices = @transform_2, window_bounds = array<i64: 1024, 1>}, {pipeline_mode = #tpu.pipeline_mode<synchronous>, transform_indices = @transform_3, window_bounds = array<i64: 1, 1024>}, {transform_indices = @transform_4, window_bounds = array<i64: 1, 1024, 1>}, {pipeline_mode = #tpu.pipeline_mode<synchronous>, transform_indices = @transform_5, window_bounds = array<i64: 1, 128>}]} {
    %eq3A = arith.constant 0 : i32
    %eq3A_0 = arith.cmpi eq, %arg0, %eq3A : i32
    %convert_element_type3A = arith.extui %eq3A_0 : i1 to i32
    %cond3A = arith.constant 0 : i32
    %cond3A_1 = arith.cmpi ne, %convert_element_type3A, %cond3A : i32
    scf.if %cond3A_1 {
      %broadcast_in_dim3A_85 = arith.constant 0.000000e+00 : f32
      %broadcast_in_dim3A_86 = vector.broadcast %broadcast_in_dim3A_85 : f32 to vector<8x1024xf32>
      %swap3A_87 = arith.constant 0 : index
      %swap3A_88 = arith.constant 0 : index
      %swap3A_89 = vector.load %arg7[%swap3A_87, %swap3A_88] : memref<8x1024xf32, #tpu.memory_space<vmem>>, vector<8x1024xf32>
      tpu.vector_store %arg7[%swap3A_87, %swap3A_88], %broadcast_in_dim3A_86 {strides = array<i32>} : memref<8x1024xf32, #tpu.memory_space<vmem>>, vector<8x1024xf32>,
      %swap3A_90 = arith.constant 0.000000e+00 : f32
      %swap3A_91 = arith.constant 0 : index
      %swap3A_92 = memref.load %arg8[%swap3A_91] : memref<2xf32, #tpu.memory_space<smem>>
      memref.store %swap3A_90, %arg8[%swap3A_91] : memref<2xf32, #tpu.memory_space<smem>>
      %swap3A_93 = arith.constant 0.000000e+00 : f32
      %swap3A_94 = arith.constant 1 : index
      %swap3A_95 = memref.load %arg8[%swap3A_94] : memref<2xf32, #tpu.memory_space<smem>>
      memref.store %swap3A_93, %arg8[%swap3A_94] : memref<2xf32, #tpu.memory_space<smem>>
    } else {
    }
    %get3A = arith.constant 0 : index
    %get3A_2 = arith.constant 0 : index
    %get3A_3 = vector.load %arg1[%get3A, %get3A_2] : memref<1024x64xf32, #tpu.memory_space<vmem>>, vector<1024x64xf32>
    %get3A_4 = arith.constant 0 : index
    %get3A_5 = arith.constant 0 : index
    %get3A_6 = vector.load %arg2[%get3A_4, %get3A_5] : memref<1024x64xf32, #tpu.memory_space<vmem>>, vector<1024x64xf32>
    %dot_general3A = arith.constant dense<0.000000e+00> : vector<1024x1024xf32>
    %dot_general3A_7 = tpu.matmul %get3A_3, %get3A_6, %dot_general3A {dimension_numbers = #tpu.dot_dimension_numbers<[1], [1], [0], [0], [0, 0, 1, 0], [], []>, transpose_lhs_hint = false} : vector<1024x64xf32>, vector<1024x64xf32>, vector<1024x1024xf32> -> vector<1024x1024xf32>
    %get3A_8 = arith.constant 0 : index
    %get3A_9 = arith.constant 0 : index
    %get3A_10 = vector.load %arg3[%get3A_8, %get3A_9] : memref<1024x1xf32, #tpu.memory_space<vmem>>, vector<1024x1xf32>
    %mul3A = arith.constant 2.000000e+00 : f32
    %mul3A_11 = vector.broadcast %mul3A : f32 to vector<1024x1024xf32>
    %mul3A_12 = arith.mulf %mul3A_11, %dot_general3A_7 : vector<1024x1024xf32>
    %sub3A = vector.broadcast %get3A_10 : vector<1024x1xf32> to vector<1024x1024xf32>
    %sub3A_13 = arith.subf %sub3A, %mul3A_12 : vector<1024x1024xf32>
    %get3A_14 = arith.constant 0 : index
    %get3A_15 = arith.constant 0 : index
    %get3A_16 = vector.load %arg4[%get3A_14, %get3A_15] : memref<1x1024xf32, #tpu.memory_space<vmem>>, vector<1x1024xf32>
    %add3A = vector.broadcast %get3A_16 : vector<1x1024xf32> to vector<1024x1024xf32>
    %add3A_17 = arith.addf %sub3A_13, %add3A : vector<1024x1024xf32>
    %reduce_min3A = arith.constant dense<0x7F800000> : vector<1024xf32>
    %reduce_min3A_18 = vector.multi_reduction <minimumf>, %add3A_17, %reduce_min3A [1] : vector<1024x1024xf32> to vector<1024xf32>
    %broadcast_in_dim3A = vector.shape_cast %reduce_min3A_18 : vector<1024xf32> to vector<1024x1xf32>
    %iota3A = tpu.iota {dimensions = array<i32: 1>} : vector<1024x1024xi32>
    %eq3A_19 = vector.broadcast %broadcast_in_dim3A : vector<1024x1xf32> to vector<1024x1024xf32>
    %eq3A_20 = arith.cmpf oeq, %add3A_17, %eq3A_19 : vector<1024x1024xf32>
    %jit3A = arith.constant 1024 : i32
    %broadcast_in_dim3A_21 = vector.broadcast %jit3A : i32 to vector<1024x1024xi32>
    %select_n3A = arith.select %eq3A_20, %iota3A, %broadcast_in_dim3A_21 : vector<1024x1024xi1>, vector<1024x1024xi32>
    %reduce_min3A_22 = arith.constant dense<2147483647> : vector<1024xi32>
    %reduce_min3A_23 = vector.multi_reduction <minsi>, %select_n3A, %reduce_min3A_22 [1] : vector<1024x1024xi32> to vector<1024xi32>
    %broadcast_in_dim3A_24 = vector.shape_cast %reduce_min3A_23 : vector<1024xi32> to vector<1024x1xi32>
    %reshape3A = vector.shape_cast %broadcast_in_dim3A_24 : vector<1024x1xi32> to vector<1x1024x1xi32>
    %swap3A = arith.constant 0 : index
    %swap3A_25 = arith.constant 0 : index
    %swap3A_26 = arith.constant 0 : index
    %swap3A_27 = vector.load %arg5[%swap3A, %swap3A_25, %swap3A_26] : memref<1x1024x1xi32, #tpu.memory_space<vmem>>, vector<1x1024x1xi32>
    tpu.vector_store %arg5[%swap3A, %swap3A_25, %swap3A_26], %reshape3A {strides = array<i32>} : memref<1x1024x1xi32, #tpu.memory_space<vmem>>, vector<1x1024x1xi32>,
    %mul3A_28 = arith.constant -1.000000e+02 : f32
    %mul3A_29 = vector.broadcast %mul3A_28 : f32 to vector<1024x1024xf32>
    %mul3A_30 = arith.mulf %add3A_17, %mul3A_29 : vector<1024x1024xf32>
    %mul3A_31 = arith.constant -1.000000e+02 : f32
    %mul3A_32 = vector.broadcast %mul3A_31 : f32 to vector<1024x1xf32>
    %mul3A_33 = arith.mulf %broadcast_in_dim3A, %mul3A_32 : vector<1024x1xf32>
    %sub3A_34 = vector.broadcast %mul3A_33 : vector<1024x1xf32> to vector<1024x1024xf32>
    %sub3A_35 = arith.subf %mul3A_30, %sub3A_34 : vector<1024x1024xf32>
    %exp3A = math.exp %sub3A_35 : vector<1024x1024xf32>
    %mul3A_36 = arith.mulf %exp3A, %sub3A_35 : vector<1024x1024xf32>
    %broadcast_in_dim3A_37 = arith.constant 1.000000e+00 : f32
    %broadcast_in_dim3A_38 = vector.broadcast %broadcast_in_dim3A_37 : f32 to vector<8x1024xf32>
    %dot_general3A_39 = arith.constant dense<0.000000e+00> : vector<1024x8xf32>
    %dot_general3A_40 = tpu.matmul %exp3A, %broadcast_in_dim3A_38, %dot_general3A_39 {dimension_numbers = #tpu.dot_dimension_numbers<[1], [1], [0], [0], [0, 0, 1, 0], [], []>, transpose_lhs_hint = false} : vector<1024x1024xf32>, vector<8x1024xf32>, vector<1024x8xf32> -> vector<1024x8xf32>
    %dot_general3A_41 = arith.constant dense<0.000000e+00> : vector<1024x8xf32>
    %dot_general3A_42 = tpu.matmul %mul3A_36, %broadcast_in_dim3A_38, %dot_general3A_41 {dimension_numbers = #tpu.dot_dimension_numbers<[1], [1], [0], [0], [0, 0, 1, 0], [], []>, transpose_lhs_hint = false} : vector<1024x1024xf32>, vector<8x1024xf32>, vector<1024x8xf32> -> vector<1024x8xf32>
    %slice3A = vector.extract_strided_slice %dot_general3A_40 {offsets = [0, 0], sizes = [1024, 1], strides = [1, 1]} : vector<1024x8xf32> to vector<1024x1xf32>
    %slice3A_43 = vector.extract_strided_slice %dot_general3A_42 {offsets = [0, 0], sizes = [1024, 1], strides = [1, 1]} : vector<1024x8xf32> to vector<1024x1xf32>
    %div3A = arith.constant 1.000000e+00 : f32
    %div3A_44 = vector.broadcast %div3A : f32 to vector<1024x1xf32>
    %div3A_45 = arith.divf %div3A_44, %slice3A : vector<1024x1xf32>
    %mul3A_46 = arith.mulf %slice3A_43, %div3A_45 : vector<1024x1xf32>
    %log3A = math.log %slice3A : vector<1024x1xf32>
    %sub3A_47 = arith.subf %mul3A_46, %log3A : vector<1024x1xf32>
    %mul3A_48 = vector.broadcast %div3A_45 : vector<1024x1xf32> to vector<1024x1024xf32>
    %mul3A_49 = arith.mulf %exp3A, %mul3A_48 : vector<1024x1024xf32>
    %broadcast_in_dim3A_50 = arith.constant 1.000000e+00 : f32
    %broadcast_in_dim3A_51 = vector.broadcast %broadcast_in_dim3A_50 : f32 to vector<8x1024xf32>
    %get3A_52 = arith.constant 0 : index
    %get3A_53 = arith.constant 0 : index
    %get3A_54 = vector.load %arg7[%get3A_52, %get3A_53] : memref<8x1024xf32, #tpu.memory_space<vmem>>, vector<8x1024xf32>
    %dot_general3A_55 = arith.constant dense<0.000000e+00> : vector<8x1024xf32>
    %dot_general3A_56 = tpu.matmul %broadcast_in_dim3A_51, %mul3A_49, %dot_general3A_55 {dimension_numbers = #tpu.dot_dimension_numbers<[1], [0], [0], [1], [0, 0, 1, 1], [], []>, transpose_lhs_hint = false} : vector<8x1024xf32>, vector<1024x1024xf32>, vector<8x1024xf32> -> vector<8x1024xf32>
    %add3A_57 = arith.addf %get3A_54, %dot_general3A_56 : vector<8x1024xf32>
    %swap3A_58 = arith.constant 0 : index
    %swap3A_59 = arith.constant 0 : index
    %swap3A_60 = vector.load %arg7[%swap3A_58, %swap3A_59] : memref<8x1024xf32, #tpu.memory_space<vmem>>, vector<8x1024xf32>
    tpu.vector_store %arg7[%swap3A_58, %swap3A_59], %add3A_57 {strides = array<i32>} : memref<8x1024xf32, #tpu.memory_space<vmem>>, vector<8x1024xf32>,
    %get3A_61 = arith.constant 0 : index
    %get3A_62 = memref.load %arg8[%get3A_61] : memref<2xf32, #tpu.memory_space<smem>>
    %reduce_sum3A = vector.shape_cast %broadcast_in_dim3A : vector<1024x1xf32> to vector<1x1024x1xf32>
    %reduce_sum3A_63 = arith.constant dense<0.000000e+00> : vector<1xf32>
    %reduce_sum3A_64 = vector.multi_reduction <add>, %reduce_sum3A, %reduce_sum3A_63 [1, 2] : vector<1x1024x1xf32> to vector<1xf32>
    %reduce_sum3A_65 = vector.shape_cast %reduce_sum3A_64 : vector<1xf32> to vector<1x1x1xf32>
    %reduce_sum3A_66 = vector.extract %reduce_sum3A_65[0, 0, 0] : f32 from vector<1x1x1xf32>
    %add3A_67 = arith.addf %get3A_62, %reduce_sum3A_66 : f32
    %swap3A_68 = arith.constant 0 : index
    %swap3A_69 = memref.load %arg8[%swap3A_68] : memref<2xf32, #tpu.memory_space<smem>>
    memref.store %add3A_67, %arg8[%swap3A_68] : memref<2xf32, #tpu.memory_space<smem>>
    %get3A_70 = arith.constant 1 : index
    %get3A_71 = memref.load %arg8[%get3A_70] : memref<2xf32, #tpu.memory_space<smem>>
    %reduce_sum3A_72 = vector.shape_cast %sub3A_47 : vector<1024x1xf32> to vector<1x1024x1xf32>
    %reduce_sum3A_73 = arith.constant dense<0.000000e+00> : vector<1xf32>
    %reduce_sum3A_74 = vector.multi_reduction <add>, %reduce_sum3A_72, %reduce_sum3A_73 [1, 2] : vector<1x1024x1xf32> to vector<1xf32>
    %reduce_sum3A_75 = vector.shape_cast %reduce_sum3A_74 : vector<1xf32> to vector<1x1x1xf32>
    %reduce_sum3A_76 = vector.extract %reduce_sum3A_75[0, 0, 0] : f32 from vector<1x1x1xf32>
    %add3A_77 = arith.addf %get3A_71, %reduce_sum3A_76 : f32
    %swap3A_78 = arith.constant 1 : index
    %swap3A_79 = memref.load %arg8[%swap3A_78] : memref<2xf32, #tpu.memory_space<smem>>
    memref.store %add3A_77, %arg8[%swap3A_78] : memref<2xf32, #tpu.memory_space<smem>>
    %eq3A_80 = arith.constant 7 : i32
    %eq3A_81 = arith.cmpi eq, %arg0, %eq3A_80 : i32
    %convert_element_type3A_82 = arith.extui %eq3A_81 : i1 to i32
    %cond3A_83 = arith.constant 0 : i32
    %cond3A_84 = arith.cmpi ne, %convert_element_type3A_82, %cond3A_83 : i32
    scf.if %cond3A_84 {
      %get3A_85 = arith.constant 0 : index
      %get3A_86 = memref.load %arg8[%get3A_85] : memref<2xf32, #tpu.memory_space<smem>>
      %mul3A_87 = arith.constant 8.192000e+03 : f32
      %mul3A_88 = arith.constant 6.400000e+01 : f32
      %mul3A_89 = arith.mulf %mul3A_87, %mul3A_88 : f32
      %div3A_90 = arith.divf %get3A_86, %mul3A_89 : f32
      %mul3A_91 = arith.constant 2.500000e-01 : f32
      %mul3A_92 = arith.mulf %mul3A_91, %div3A_90 : f32
      %get3A_93 = arith.constant 1 : index
      %get3A_94 = memref.load %arg8[%get3A_93] : memref<2xf32, #tpu.memory_space<smem>>
      %div3A_95 = arith.constant 8.192000e+03 : f32
      %div3A_96 = arith.divf %get3A_94, %div3A_95 : f32
      %neg3A = arith.constant 0.000000e+00 : f32
      %neg3A_97 = arith.subf %neg3A, %div3A_96 : f32
      %get3A_98 = arith.constant 0 : index
      %get3A_99 = arith.constant 0 : index
      %get3A_100 = vector.load %arg7[%get3A_98, %get3A_99] : memref<8x1024xf32, #tpu.memory_space<vmem>>, vector<1x1024xf32>
      %div3A_101 = arith.constant 8.192000e+03 : f32
      %div3A_102 = vector.broadcast %div3A_101 : f32 to vector<1x1024xf32>
      %div3A_103 = arith.divf %get3A_100, %div3A_102 : vector<1x1024xf32>
      %add3A_104 = arith.constant 9.99999974E-6 : f32
      %add3A_105 = vector.broadcast %add3A_104 : f32 to vector<1x1024xf32>
      %add3A_106 = arith.addf %div3A_103, %add3A_105 : vector<1x1024xf32>
      %log3A_107 = math.log %add3A_106 : vector<1x1024xf32>
      %mul3A_108 = arith.mulf %div3A_103, %log3A_107 : vector<1x1024xf32>
      %reduce_sum3A_109 = vector.shape_cast %mul3A_108 : vector<1x1024xf32> to vector<1x1x1024xf32>
      %reduce_sum3A_110 = arith.constant dense<0.000000e+00> : vector<1xf32>
      %reduce_sum3A_111 = vector.multi_reduction <add>, %reduce_sum3A_109, %reduce_sum3A_110 [1, 2] : vector<1x1x1024xf32> to vector<1xf32>
      %reduce_sum3A_112 = vector.shape_cast %reduce_sum3A_111 : vector<1xf32> to vector<1x1x1xf32>
      %reduce_sum3A_113 = vector.extract %reduce_sum3A_112[0, 0, 0] : f32 from vector<1x1x1xf32>
      %neg3A_114 = arith.constant 0.000000e+00 : f32
      %neg3A_115 = arith.subf %neg3A_114, %reduce_sum3A_113 : f32
      %sub3A_116 = arith.subf %neg3A_97, %neg3A_115 : f32
      %mul3A_117 = arith.constant 1.000000e-01 : f32
      %mul3A_118 = arith.mulf %sub3A_116, %mul3A_117 : f32
      %add3A_119 = arith.addf %mul3A_92, %div3A_90 : f32
      %add3A_120 = arith.addf %add3A_119, %mul3A_118 : f32
      %iota3A_121 = tpu.iota {dimensions = array<i32: 1>} : vector<1x128xi32>
      %eq3A_122 = arith.constant 0 : i32
      %eq3A_123 = vector.broadcast %eq3A_122 : i32 to vector<1x128xi32>
      %eq3A_124 = arith.cmpi eq, %iota3A_121, %eq3A_123 : vector<1x128xi32>
      %jit3A_125 = arith.constant 0.000000e+00 : f32
      %broadcast_in_dim3A_126 = vector.broadcast %add3A_120 : f32 to vector<1x128xf32>
      %broadcast_in_dim3A_127 = vector.broadcast %jit3A_125 : f32 to vector<1x128xf32>
      %select_n3A_128 = arith.select %eq3A_124, %broadcast_in_dim3A_126, %broadcast_in_dim3A_127 : vector<1x128xi1>, vector<1x128xf32>
      %eq3A_129 = arith.constant 1 : i32
      %eq3A_130 = vector.broadcast %eq3A_129 : i32 to vector<1x128xi32>
      %eq3A_131 = arith.cmpi eq, %iota3A_121, %eq3A_130 : vector<1x128xi32>
      %jit3A_132 = arith.constant 0.000000e+00 : f32
      %broadcast_in_dim3A_133 = vector.broadcast %mul3A_92 : f32 to vector<1x128xf32>
      %broadcast_in_dim3A_134 = vector.broadcast %jit3A_132 : f32 to vector<1x128xf32>
      %select_n3A_135 = arith.select %eq3A_131, %broadcast_in_dim3A_133, %broadcast_in_dim3A_134 : vector<1x128xi1>, vector<1x128xf32>
      %add3A_136 = arith.addf %select_n3A_128, %select_n3A_135 : vector<1x128xf32>
      %eq3A_137 = arith.constant 2 : i32
      %eq3A_138 = vector.broadcast %eq3A_137 : i32 to vector<1x128xi32>
      %eq3A_139 = arith.cmpi eq, %iota3A_121, %eq3A_138 : vector<1x128xi32>
      %jit3A_140 = arith.constant 0.000000e+00 : f32
      %broadcast_in_dim3A_141 = vector.broadcast %div3A_90 : f32 to vector<1x128xf32>
      %broadcast_in_dim3A_142 = vector.broadcast %jit3A_140 : f32 to vector<1x128xf32>
      %select_n3A_143 = arith.select %eq3A_139, %broadcast_in_dim3A_141, %broadcast_in_dim3A_142 : vector<1x128xi1>, vector<1x128xf32>
      %add3A_144 = arith.addf %add3A_136, %select_n3A_143 : vector<1x128xf32>
      %eq3A_145 = arith.constant 3 : i32
      %eq3A_146 = vector.broadcast %eq3A_145 : i32 to vector<1x128xi32>
      %eq3A_147 = arith.cmpi eq, %iota3A_121, %eq3A_146 : vector<1x128xi32>
      %jit3A_148 = arith.constant 0.000000e+00 : f32
      %broadcast_in_dim3A_149 = vector.broadcast %mul3A_118 : f32 to vector<1x128xf32>
      %broadcast_in_dim3A_150 = vector.broadcast %jit3A_148 : f32 to vector<1x128xf32>
      %select_n3A_151 = arith.select %eq3A_147, %broadcast_in_dim3A_149, %broadcast_in_dim3A_150 : vector<1x128xi1>, vector<1x128xf32>
      %add3A_152 = arith.addf %add3A_144, %select_n3A_151 : vector<1x128xf32>
      %swap3A_153 = arith.constant 0 : index
      %swap3A_154 = arith.constant 0 : index
      %swap3A_155 = vector.load %arg6[%swap3A_153, %swap3A_154] : memref<1x128xf32, #tpu.memory_space<vmem>>, vector<1x128xf32>
      tpu.vector_store %arg6[%swap3A_153, %swap3A_154], %add3A_152 {strides = array<i32>} : memref<1x128xf32, #tpu.memory_space<vmem>>, vector<1x128xf32>,
    } else {
    }
    return
  }
  func.func @transform_0(%arg0: i32) -> (i32, i32) {
    %c0_i32 = arith.constant 0 : i32
    %c0_i32_0 = arith.constant 0 : i32
    return %arg0, %c0_i32 : i32, i32
  }
  func.func @transform_1(%arg0: i32) -> (i32, i32) {
    %c0_i32 = arith.constant 0 : i32
    %c0_i32_0 = arith.constant 0 : i32
    %c0_i32_1 = arith.constant 0 : i32
    return %c0_i32, %c0_i32_0 : i32, i32
  }
  func.func @transform_2(%arg0: i32) -> (i32, i32) {
    %c0_i32 = arith.constant 0 : i32
    %c0_i32_0 = arith.constant 0 : i32
    return %arg0, %c0_i32 : i32, i32
  }
  func.func @transform_3(%arg0: i32) -> (i32, i32) {
    %c0_i32 = arith.constant 0 : i32
    %c0_i32_0 = arith.constant 0 : i32
    %c0_i32_1 = arith.constant 0 : i32
    return %c0_i32, %c0_i32_0 : i32, i32
  }
  func.func @transform_4(%arg0: i32) -> (i32, i32, i32) {
    %c0_i32 = arith.constant 0 : i32
    %c0_i32_0 = arith.constant 0 : i32
    %c0_i32_1 = arith.constant 0 : i32
    return %arg0, %c0_i32, %c0_i32_0 : i32, i32, i32
  }
  func.func @transform_5(%arg0: i32) -> (i32, i32) {
    %c0_i32 = arith.constant 0 : i32
    %c0_i32_0 = arith.constant 0 : i32
    %c0_i32_1 = arith.constant 0 : i32
    return %c0_i32, %c0_i32_0 : i32, i32
  }
}

</mosaic_0001>

<sc_bundles>
// kernel: kernel.4.cloned.1.call-start
scs
__scs_entry_jumppad:
0x0: {  	(pc) =	sbr.rel $0x88, $3  }
0x1: {  	(tag) =	ssettag $0x0;
	lr =	simm.s32 $0x1  }
0x2: {  	[smem:$0x3F9F] =	sst lr;
	_ =	strace $0xD0000000  }
0x3: {  	_ = 	snop  }
0x4: {  	_ = 	snop  }
0x5: {  	_ = 	snop  }
0x6: {  	_ = 	snop  }
0x7: {  	_ = 	snop  }
__scs_overlays_trampoline_lowered:
0x8: {  	[smem:$0x3FAE] =	sst s0  }
0x9: {  	[smem:$0x3FAF] =	sst s1  }
0xa: {  	[smem:$0x3FB0] =	sst s2  }
0xb: {  	[smem:$0x3FB1] =	sst s3  }
0xc: {  	[smem:$0x3FB2] =	sst s4  }
0xd: {  	[smem:$0x3FB3] =	sst s5  }
0xe: {  	[smem:$0x3FB4] =	sst s6  }
0xf: {  	[smem:$0x3FB5] =	sst s7  }
0x10: {  	[smem:$0x3FB6] =	sst s8  }
0x11: {  	[smem:$0x3FB7] =	sst s9;
	s0 =	simm.s32 @!p0 $0x0  }
0x12: {  	s1 =	sld [smem:$0x3F9D];
	s0 =	simm.s32 @p0 $0x1  }
0x13: {  	[smem:$0x3FB8] =	sst s0;
	s0 =	simm.s32 @!p1 $0x0  }
0x14: {  	s2 =	sld [smem:$0x3F9C];
	s0 =	simm.s32 @p1 $0x1  }
0x15: {  	[smem:$0x3FB9] =	sst s0;
	s0 =	simm.s32 @!p2 $0x0  }
0x16: {  	s3 =	sld [smem:$0x3FDB];
	s0 =	simm.s32 @p2 $0x1  }
0x17: {  	s4 =	simm.s32 $0x1BF5;
	[smem:$0x3FBB] =	sst s0  }
0x18: {  	s0 =	sld [smem:$0x3F9E];
	_ =	swait.ge [sflag:s4], $0x0  }
0x19: {  	s7 =	sld [smem:$0x3F9F]  }
0x1a: {  	s8 =	sadd.s32 $0xFFFFE003, lr  }
0x1b: {  	s9 =	sadd.s32 $0xFFFFFEF7, lr;
	s5 =	simm.s32 $0xFFFFFFFF;
	p2 =	slt.u32 s8, $0xFFFFF086  }
0x1c: {  	p1 =	slt.u32 s9, $0xF7A;
	s5 =	simm.s32 @!p2 $0x0  }
0x1d: {  	s5 =	simm.s32 @p1 $0x1;
	p0 =	seq.s32 s7, s2  }
0x1e: {  	s7 =	smul.u32 @!p0 $0xF7A, s2;
	p2 =	seq.s32 @!p0 s5, $0x0  }
0x1f: {  	s9 =	smul.u32 $0xF7A, s1;
	s8 =	simm.s32 @!p0 $0x1BF5;
	p2 =	por !p2, p0  }
0x20: {  	[sflag:s8] =	ssyncset.s32 @!p0 $0xFFFFF086;
	s6 =	sadd.s32 @!p0 s3, s7;
	s7 =	simm.s32 @!p0 $0x108  }
0x21: {  	s3 =	sadd.s32 s3, s9;
	s6 =	sadd.s32 @!p0 $0x88, s6;
	s7 =	simm.s32 @p2 $0x1082  }
0x22: {  	[simem:s7], [sflag:s8] =	dma.local @!p0 [hbm:s6], $0xF7A  }
0x23: {  	s9 =	sor.u32 $0xD0000000, s2;
	s6 =	simm.s32 $0x108;
	_ =	swait.ge @!p0 [sflag:s8], $0x0  }
0x24: {  	s3 =	sadd.s32 $0x88, s3;
	s6 =	simm.s32 @!p1 $0x1082;
	[sflag:s4] =	ssyncset.s32 $0xFFFFF086  }
0x25: {  	[simem:s6], [sflag:s4] =	dma.local [hbm:s3], $0xF7A  }
0x26: {  	[smem:$0x3F9F] =	sst s1;
	(tag) =	ssettag s2;
	_ =	strace s9  }
0x27: {  	s1 =	sld [smem:$0x3FAF]  }
0x28: {  	s2 =	sld [smem:$0x3FB0]  }
0x29: {  	s4 =	sld [smem:$0x3FB2]  }
0x2a: {  	p0 =	seq.s32 s5, $0x0;
	s5 =	sld [smem:$0x3FB3]  }
0x2b: {  	s6 =	sld [smem:$0x3FB4]  }
0x2c: {  	s7 =	sld [smem:$0x3FB5]  }
0x2d: {  	s3 =	simm.s32 $0x108;
	s8 =	sld [smem:$0x3FB6]  }
0x2e: {  	s3 =	simm.s32 @!p0 $0x1082;
	s9 =	sld [smem:$0x3FB7]  }
0x2f: {  	lr =	sadd.s32 s0, s3;
	s0 =	sld [smem:$0x3FAE]  }
0x30: {  	s3 =	sld [smem:$0x3FB1]  }
0x31: {  	[smem:$0x3FBA] =	sst s10  }
0x32: {  	s10 =	sld [smem:$0x3FB8];
	_ =	sdelay $0x3  }
0x33: {  	p0 =	seq.s32 s10, $0x1;
	s10 =	sld [smem:$0x3FBA];
	_ =	sdelay $0x3  }
0x34: {  	[smem:$0x3FBA] =	sst s10  }
0x35: {  	s10 =	sld [smem:$0x3FB9];
	_ =	sdelay $0x3  }
0x36: {  	p1 =	seq.s32 s10, $0x1;
	s10 =	sld [smem:$0x3FBA];
	_ =	sdelay $0x3  }
0x37: {  	[smem:$0x3FBA] =	sst s10  }
0x38: {  	s10 =	sld [smem:$0x3FBB]  }
0x39: {  	_ = 	snop;
	(pc) =	sbr.ind lr, $3  }
0x3a: {  	_ = 	snop  }
0x3b: {  	_ = 	snop  }
0x3c: {  	p2 =	seq.s32 s10, $0x1;
	s10 =	sld [smem:$0x3FBA]  }
0x3d: {  	_ =	shalt  }
0x3e: {  	_ =	shalt  }
0x3f: {  	_ =	shalt  }
0x40: {  	_ =	shalt  }
0x41: {  	_ =	shalt  }
0x42: {  	_ =	shalt  }
0x43: {  	_ =	shalt  }
0x44: {  	_ =	shalt  }
0x45: {  	_ =	shalt  }
0x46: {  	_ =	shalt  }
0x47: {  	_ =	shalt  }
0x48: {  	_ =	shalt  }
0x49: {  	_ =	shalt  }
0x4a: {  	_ =	shalt  }
0x4b: {  	_ =	shalt  }
0x4c: {  	_ =	shalt  }
0x4d: {  	_ =	shalt  }
0x4e: {  	_ =	shalt  }
0x4f: {  	_ =	shalt  }
0x50: {  	_ =	shalt  }
0x51: {  	_ =	shalt  }
0x52: {  	_ =	shalt  }
0x53: {  	_ =	shalt  }
0x54: {  	_ =	shalt  }
0x55: {  	_ =	shalt  }
0x56: {  	_ =	shalt  }
0x57: {  	_ =	shalt  }
0x58: {  	_ =	shalt  }
0x59: {  	_ =	shalt  }
0x5a: {  	_ =	shalt  }
0x5b: {  	_ =	shalt  }
0x5c: {  	_ =	shalt  }
0x5d: {  	_ =	shalt  }
0x5e: {  	_ =	shalt  }
0x5f: {  	_ =	shalt  }
0x60: {  	_ =	shalt  }
0x61: {  	_ =	shalt  }
0x62: {  	_ =	shalt  }
0x63: {  	_ =	shalt  }
0x64: {  	_ =	shalt  }
0x65: {  	_ =	shalt  }
0x66: {  	_ =	shalt  }
0x67: {  	_ =	shalt  }
0x68: {  	_ =	shalt  }
0x69: {  	_ =	shalt  }
0x6a: {  	_ =	shalt  }
0x6b: {  	_ =	shalt  }
0x6c: {  	_ =	shalt  }
0x6d: {  	_ =	shalt  }
0x6e: {  	_ =	shalt  }
0x6f: {  	_ =	shalt  }
0x70: {  	_ =	shalt  }
0x71: {  	_ =	shalt  }
0x72: {  	_ =	shalt  }
0x73: {  	_ =	shalt  }
0x74: {  	_ =	shalt  }
0x75: {  	_ =	shalt  }
0x76: {  	_ =	shalt  }
0x77: {  	_ =	shalt  }
0x78: {  	_ =	shalt  }
0x79: {  	_ =	shalt  }
0x7a: {  	_ =	shalt  }
0x7b: {  	_ =	shalt  }
0x7c: {  	_ =	shalt  }
0x7d: {  	_ =	shalt  }
0x7e: {  	_ =	shalt  }
0x7f: {  	_ =	shalt  }
0x80: {  	_ =	shalt  }
0x81: {  	_ =	shalt  }
0x82: {  	_ =	shalt  }
0x83: {  	_ =	shalt  }
0x84: {  	_ =	shalt  }
0x85: {  	_ =	shalt  }
0x86: {  	_ =	shalt  }
0x87: {  	_ =	shalt  }
.Lfunc_end0:
.L_simem_size_0:
called_computation_lowered:
.L_overlay_start_0:
0x88: {  	s2 =	sld [smem:$0x3FD9]  }
0x89: {  	s3 =	sld [smem:$0x3FFE];
	_ =	sdelay $0x1  }
0x8a: {  	s1 =	srdreg.scid  }
0x8b: {  	s0 =	sand.u32 $0x1, s1  }
0x8c: {  	s14 =	sshll.u32 s0, $0xA;
	s2 =	sadd.s32 s3, s2  }
0x8d: {  	s2 =	sadd.s32 s2, s14  }
0x8e: {  	[smem:$0x3FC6] =	sst s2  }
0x8f: {  	_ = 	snop  }
0x90: {  	s2 =	sld [smem:$0x3FD0];
	_ =	sdelay $0x2  }
0x91: {  	s15 =	simm.s32 $0xA;
	s4 =	simm.s32 $0x10  }
0x92: {  	[smem:s4], [sflag:s15] =	dma.local [hbm:s2], $0x1  }
0x93: {  	_ =	swait.eq [sflag:s15], $0x1  }
0x94: {  	[sflag:s15] =	ssyncset.done $0x0  }
0x95: {  	[sflag:s15] =	ssyncadd.s32 $0xFFFFFFFF  }
0x96: {  	s16 =	sld [smem:$0x10];
	(tm) =	ssettm $0x1  }
0x97: {  	s17 =	sld [smem:$0x3FFB];
	_ =	sdelay $0x3  }
0x98: {  	_ =	strace s17  }
0x99: {  	s3 =	sld [smem:$0x3FFC];
	_ =	sdelay $0x3  }
0x9a: {  	_ =	strace s3  }
0x9b: {  	s3 =	sld [smem:$0x3FFD];
	_ =	sdelay $0x3  }
0x9c: {  	_ =	strace s3  }
0x9d: {  	_ =	strace $0x8FFFFFFF  }
0x9e: {  	s18 =	sld [smem:$0x3FDB];
	_ =	sdelay $0x1  }
0x9f: {  	s19 =	simm.s32 $_scs_section_size  }
0xa0: {  	s5 =	simm.s32 $_size__tile_overlayer_lowered;
	s6 =	simm.s32 $_tile_overlayer_lowered  }
0xa1: {  	s22 =	simm.s32 $0x1BFF;
	s21 =	sshll.u32 s6, $0x1;
	s3 =	sadd.s32 s19, s18  }
0xa2: {  	s7 =	simm.s32 $0x0;
	s20 =	sshll.u32 s5, $0x1;
	s5 =	sadd.s32 s21, s3  }
0xa3: {  	[timem:s7], [sflag:s22] =	dma.local [hbm:s5], s20  }
0xa4: {  	_ =	swait.ge [sflag:s22], s20  }
0xa5: {  	s4 =	ssub.s32 $0x0, s20;
	[sflag:s22] =	ssyncset.done $0x0  }
0xa6: {  	[sflag:s22] =	ssyncadd.s32 s4;
	_ =	sdelay $0x1  }
0xa7: {  	s23 =	simm.s32 $0x1B8B  }
0xa8: {  	_ =	swait.ge [sflag:s23], $0x1  }
0xa9: {  	[sflag:s23] =	ssyncset.done $0x0  }
0xaa: {  	s25 =	simm.s32 $0x1B8E;
	s24 =	sld [smem:$0x3FFE];
	[sflag:s23] =	ssyncadd.s32 $0xFFFFFFFF  }
0xab: {  	s26 =	simm.s32 $execute0_lowered;
	[smem:$0x3FD2] =	sst s25  }
0xac: {  	s5 =	sshll.u32 s26, $0x1;
	_ =	strace $0x80000046;
	[dreg:$0x1] =	wrdreg $0xFFFFFFFF  }
0xad: {  	s28 =	simm.s32 $_size_execute0_lowered;
	s3 =	sadd.s32 s3, s5;
	[dreg:$0x0] =	wrdreg $0x0  }
0xae: {  	s5 =	sshll.u32 s28, $0x1;
	[dreg:$0x2] =	wrdreg s3  }
0xaf: {  	[dreg:$0x3] =	wrdreg s5  }
0xb0: {  	[dreg:$0x4] =	wrdreg $0xC0  }
0xb1: {  	_ =	task [dreg:s7], $0x5FFFF  }
0xb2: {  	[dreg:$0x1] =	wrdreg $0xFFFFFFFF  }
0xb3: {  	[dreg:$0x0] =	wrdreg $0x60  }
0xb4: {  	[dreg:$0x2] =	wrdreg s24  }
0xb5: {  	[dreg:$0x3] =	wrdreg s16  }
0xb6: {  	[dreg:$0x4] =	wrdreg $0x9  }
0xb7: {  	_ =	task.clear_ibuf [dreg:s7], $0x5FFFF;
	_ =	strace $0x90000046  }
0xb8: {  	s29 =	simm.s32 $0x9;
	_ =	strace $0x80000048  }
0xb9: {  	_ =	swait.ge [sflag:s29], $0x1  }
0xba: {  	[sflag:s29] =	ssyncadd.s32 $0xFFFFFFFF  }
0xbb: {  	_ =	strace $0x90000048  }
0xbc: {  	_ =	sfence  }
0xbd: {  	s30 =	sld [smem:$0x0];
	_ =	sdelay $0x2  }
0xbe: {  	s31 =	sshll.u32 s1, $0xD;
	s1 =	sshrl.u32 s1, $0x2  }
0xbf: {  	s3 =	sand.u32 $0x4000, s31;
	s1 =	sadd.s32 s1, s30  }
0xc0: {  	s0 =	sor.u32 s3, s0;
	s1 =	sshll.u32 s1, $0x11  }
0xc1: {  	s0 =	sor.u32 s1, s0  }
0xc2: {  	s0 =	sadd.s32 $0x8F2B, s0  }
0xc3: {  	[sflag:s0] =	ssyncadd.remote.s32 $0x1  }
0xc4: {  	_ =	sfence.sel $0xFFFF  }
0xc5: {  	[dreg:$0x0] =	wrdreg $0xFFFFFFFF;
	(pc) =	sbr.abs _section_cstart, $3  }
0xc6: {  	[dreg:$0x1] =	wrdreg $0xFFFFFFFF  }
0xc7: {  	_ =	task.clear_ibuf [dreg:s7], $0x2FFFF;
	_ =	strace $0x9FFFFFFF  }
0xc8: {  	(tm) =	ssettm $0x7FFFFFFF  }
0xc9: {  	_ =	shalt  }
tec
execute0_lowered:
.L_overlay_start_1:
0x0: {  	(tag) =	ssettag $0x1  }
0x1: {  	s10 =	rddreg [dreg:$0x0]  }
0x2: {  	s1 =	srdreg.scid;
	s0 =	stileid.u32  }
0x3: {  	s2 =	rddreg [dreg:$0x1];
	s11 =	sand.u32 $0x1, s1;
	s4 =	sshll.u32 s0, $0x1  }
0x4: {  	s3 =	simm.s32 $0x0;
	s1 =	rddreg [dreg:$0x2];
	s12 =	sor.u32 s11, s4  }
0x5: {  	[smem:$0x7FF] =	sst s3;
	s4 =	sshll.u32 s12, $0x5  }
0x6: {  	_ =	strace $0x80000047;
	s5 =	sadd.s32 s10, s4;
	s4 =	simm.s32 $0x2  }
0x7: {  	[tilespmem:s3], [sflag:$0x2] =	stream.linear.gather [hbm4b:s5+s3], $0x100, $0x38;
	[tilespmem:$0x8100] =	vst v63  }
0x8: {  	_ =	swait.ge [sflag:s4], $0x100  }
0x9: {  	[sflag:s4] =	ssyncset.done $0x0  }
0xa: {  	s6 =	simm.s32 $0x80;
	s7 =	simm.s32 $0x100;
	[sflag:s4] =	ssyncadd.s32 $0xFFFFFF00  }
0xb: {  	[tilespmem:s7], [sflag:$0x1] =	stream.indirect.gather [hbm4b:s2+s6], $0x80, s3, s6, $0xb8;
	[tilespmem:$0x8100] =	vst v63  }
0xc: {  	s8 =	simm.s32 $0x4100;
	s9 =	simm.s32 $0x1;
	s11 =	ssub.s32 $0x2, s11  }
0xd: {  	[tilespmem:s8], [sflag:$0x1] =	stream.indirect.gather [hbm4b:s2+s6], $0x80, s6, s6, $0xb8;
	[tilespmem:$0x8100] =	vst v63  }
0xe: {  	s13 =	sshrl.u32 s11, $0x1;
	_ =	swait.ge [sflag:s9], $0x4000  }
0xf: {  	s11 =	ssub.s32 s11, s13;
	[sflag:s9] =	ssyncset.done $0x0  }
0x10: {  	s11 =	smax.u32 s11, $0x1;
	[sflag:s9] =	ssyncadd.s32 $0xFFFFC000  }
0x11: {  	s12 =	sshll.u32 s12, $0xC;
	p0 =	sne.s32 s11, $0x1;
	_ =	swait.ge [sflag:s9], $0x4000  }
.Ltmp0:
0x12: {  	s10 =	sadd.s32 s12, s10;
	[sflag:s9] =	ssyncset.done $0x0;
	(pc) =	sbr.rel @!p0 .LBB2_2-.Ltmp0, $4  }
0x13: {  	s10 =	sadd.s32 $0x400, s10;
	[sflag:s9] =	ssyncadd.s32 $0xFFFFC000  }
0x14: {  	[hbm4b:s10+s3] =	stream.linear.scatter [tilespmem:s7], [sflag:$0x2], $0x8000, $0x38;
	[tilespmem:$0x8100] =	vst v63  }
0x15: {  	_ =	swait.ge [sflag:s4], $0x8000  }
0x16: {  	s11 =	sadd.s32 $0xFFFFFFFF, s11;
	[sflag:s4] =	ssyncset.done $0x0  }
.LBB2_1:
0x17: {  	p0 =	sne.s32 s11, $0x1;
	s11 =	sadd.s32 $0xFFFFFFFF, s11;
	[sflag:s4] =	ssyncadd.s32 $0xFFFF8000  }
0x18: {  	[tilespmem:s3], [sflag:$0x2] =	stream.linear.gather [hbm4b:s5+s3], $0x100, $0x38;
	[tilespmem:$0x8100] =	vst v63  }
0x19: {  	_ =	swait.ge [sflag:s4], $0x100  }
0x1a: {  	[sflag:s4] =	ssyncset.done $0x0  }
0x1b: {  	[sflag:s4] =	ssyncadd.s32 $0xFFFFFF00  }
0x1c: {  	[tilespmem:s7], [sflag:$0x1] =	stream.indirect.gather [hbm4b:s2+s6], $0x80, s3, s6, $0xb8;
	[tilespmem:$0x8100] =	vst v63  }
0x1d: {  	_ = 	snop  }
0x1e: {  	[tilespmem:s8], [sflag:$0x1] =	stream.indirect.gather [hbm4b:s2+s6], $0x80, s6, s6, $0xb8;
	[tilespmem:$0x8100] =	vst v63  }
0x1f: {  	_ =	swait.ge [sflag:s9], $0x4000  }
0x20: {  	[sflag:s9] =	ssyncset.done $0x0  }
0x21: {  	[sflag:s9] =	ssyncadd.s32 $0xFFFFC000  }
0x22: {  	_ =	swait.ge [sflag:s9], $0x4000  }
.Ltmp1:
0x23: {  	[sflag:s9] =	ssyncset.done $0x0;
	(pc) =	sbr.rel @p0 .LBB2_1-.Ltmp1, $4  }
0x24: {  	[sflag:s9] =	ssyncadd.s32 $0xFFFFC000  }
0x25: {  	[hbm4b:s10+s3] =	stream.linear.scatter [tilespmem:s7], [sflag:$0x2], $0x8000, $0x38;
	[tilespmem:$0x8100] =	vst v63  }
0x26: {  	_ =	swait.ge [sflag:s4], $0x8000  }
0x27: {  	[sflag:s4] =	ssyncset.done $0x0  }
.LBB2_2:
0x28: {  	[sflag:s4] =	ssyncadd.s32 $0xFFFF8000  }
0x29: {  	_ =	sfence.sel $0x180000  }
0x2a: {  	[bflag:$0x0] =	sbarrier.arrive $0xFFFF  }
0x2b: {  	p0 =	sne.s32 s0, $0x0;
	_ =	strace $0x90000047  }
0x2c: {  	s0 =	sadd.s32 @!p0 $0x100000, s1;
	[bflag:$0x2] =	sbarrier.arrive $0xFFFF  }
0x2d: {  	[sflag:s0] =	ssyncadd.tile.s32 @!p0 $0x1;
	_ =	shalt  }
.Lfunc_end2:
_tile_overlayer_lowered:
.L_overlay_start_2:
0x2e: {  	(tag) =	ssettag $0x2  }
0x2f: {  	s0 =	rddreg [dreg:$0x0];
	s2 =	stileid.u32  }
0x30: {  	s1 =	rddreg [dreg:$0x1];
	p0 =	sne.s32 s2, $0x0  }
0x31: {  	s3 =	rddreg [dreg:$0x2];
	[bflag:$0x3] =	sbarrier.arrive $0xFFFF;
	s2 =	simm.s32 @!p0 $0x1C02  }
0x32: {  	[timem:s3], [sflag:s2] =	dma.local @!p0 [hbm:s0], s1  }
0x33: {  	s0 =	simm.s32 @!p0 $0x2  }
0x34: {  	_ =	swait.ge @!p0 [sflag:s0], s1  }
0x35: {  	s1 =	ssub.s32 @!p0 $0x0, s1;
	[sflag:s0] =	ssyncset.done @!p0 $0x0  }
0x36: {  	[sflag:s0] =	ssyncadd.s32 @!p0 s1  }
0x37: {  	[bflag:$0x3] =	sbarrier.arrive $0xFFFF  }
0x38: {  	_ =	shalt  }

</sc_bundles>
